<compile_context>
chip_gen: v7x
topology: tpu7x:2x2x1
jax: 0.10.2.dev20260603
libtpu: 0.0.44.dev20260713+nightly
codegen_flags: <defaults>
</compile_context>

<pallas_src>
import functools

import jax
import jax.numpy as jnp
from jax import lax
from jax.experimental import pallas as pl
from jax.experimental.pallas import tpu as pltpu
from jax.experimental.pallas import tpu_sc as plsc

NUM_ROWS = 1000000
B = 4096
L = 50
D = 64
O = 128
NC, NS = 2, 16
NW = NC * NS
BPW = B // NW


def _pool_body(vt_hbm, table_hbm, out_hbm, raw_v, idx_v, acc_v, sem, isem):
    wid = lax.axis_index("s") * NC + lax.axis_index("c")
    base = wid * BPW
    idx_cp = pltpu.async_copy(vt_hbm.at[pl.ds(base, BPW)], raw_v, isem)

    zeros = jnp.zeros((16,), jnp.float32)

    def zbody(i, carry):
        for g in range(D // 16):
            acc_v[i, pl.ds(g * 16, 16)] = zeros
        return carry

    lax.fori_loop(0, BPW, zbody, 0)
    idx_cp.wait()

    lanes = lax.iota(jnp.int32, 16)

    def tbody(j, carry):
        cols = jnp.full((16,), j, jnp.int32)
        for g in range(BPW // 16):
            v = plsc.load_gather(raw_v, [lanes + g * 16, cols])
            idx_v[j, pl.ds(g * 16, 16)] = v + v
        return carry

    lax.fori_loop(0, L, tbody, 0)

    def fire(j, carry):
        pltpu.async_copy(table_hbm.at[idx_v.at[j]], acc_v, sem, add=True)
        return carry

    lax.fori_loop(0, L, fire, 0)

    def drain(j, carry):
        pltpu.make_async_copy(table_hbm.at[idx_v.at[0]], acc_v, sem).wait()
        return carry

    lax.fori_loop(0, L, drain, 0)
    pltpu.sync_copy(acc_v, out_hbm.at[pl.ds(base, BPW)])


_pool = functools.partial(
    pl.kernel,
    out_type=jax.ShapeDtypeStruct((B, D), jnp.float32),
    mesh=plsc.VectorSubcoreMesh(core_axis_name="c", subcore_axis_name="s"),
    scratch_types=[
        pltpu.VMEM((BPW, L), jnp.int32),
        pltpu.VMEM((L, BPW), jnp.int32),
        pltpu.VMEM((BPW, D), jnp.float32),
        pltpu.SemaphoreType.DMA,
        pltpu.SemaphoreType.DMA,
    ],
    compiler_params=pltpu.CompilerParams(
        use_tc_tiling_on_sc=False, needs_layout_passes=False
    ),
)(_pool_body)


RC = 40960


def _repack_body(t_ref, o_ref):
    o_ref[:, 0:D] = jnp.transpose(t_ref[...])


def _repack(t):
    grid = (NUM_ROWS + RC - 1) // RC
    return pl.pallas_call(
        _repack_body,
        out_shape=jax.ShapeDtypeStruct((NUM_ROWS, 2 * D), jnp.float32),
        grid=(grid,),
        in_specs=[pl.BlockSpec((D, RC), lambda i: (0, i))],
        out_specs=pl.BlockSpec((RC, 2 * D), lambda i: (i, 0)),
        compiler_params=pltpu.CompilerParams(
            vmem_limit_bytes=120 * 1024 * 1024
        ),
    )(t)


def _linear_body(x_ref, w_ref, b_ref, o_ref):
    x = x_ref[...] * jnp.float32(1.0 / L)
    o_ref[...] = (
        lax.dot_general(
            x, w_ref[...], (((1,), (1,)), ((), ())),
            preferred_element_type=jnp.float32,
        )
        + b_ref[...]
    )


def _linear(pooled, W, b2d):
    blk = 512
    return pl.pallas_call(
        _linear_body,
        out_shape=jax.ShapeDtypeStruct((B, O), jnp.float32),
        grid=(B // blk,),
        in_specs=[
            pl.BlockSpec((blk, D), lambda i: (i, 0)),
            pl.BlockSpec((O, D), lambda i: (0, 0)),
            pl.BlockSpec((1, O), lambda i: (0, 0)),
        ],
        out_specs=pl.BlockSpec((blk, O), lambda i: (i, 0)),
    )(pooled, W, b2d)


def kernel(vectorized_text, emb_table, W, b):
    packed = _repack(emb_table.T)
    pooled = _pool(
        vectorized_text.astype(jnp.int32),
        packed.reshape(2 * NUM_ROWS, D),
    )
    return _linear(pooled, W, b.reshape(1, O))

# --- scband reference (transcript-rebuilt; emitter-appended) ---
"""Pipeline reference for scband-linear-encoder-22299470201472 (READ-ONLY COPY).

The authoritative reference and input builder live on the scoring server;
editing this copy changes nothing except your own understanding.
"""

import jax, jax.numpy as jnp
import numpy as np

NUM_EMBEDDINGS = 1000000
EMBED_DIM = 64
OUTPUT_DIM = 128


def setup_inputs(seed: int = 0) -> dict:
    key = jax.random.key(seed)
    k1, k2, k3, k4 = jax.random.split(key, 4)
    vectorized_text = jax.random.randint(k1, (4096, 50), 0, NUM_EMBEDDINGS, dtype=jnp.int64 if jax.config.jax_enable_x64 else jnp.int32)
    emb_table = jax.random.normal(k2, (NUM_EMBEDDINGS, EMBED_DIM), dtype=jnp.float32) * 0.02
    W = jax.random.normal(k3, (OUTPUT_DIM, EMBED_DIM), dtype=jnp.float32) * (1.0 / np.sqrt(EMBED_DIM))
    b = jax.random.normal(k4, (OUTPUT_DIM,), dtype=jnp.float32) * 0.01
    return {"vectorized_text": vectorized_text, "emb_table": emb_table, "W": W, "b": b}


def reference(vectorized_text, emb_table, W, b):
    # nn.EmbeddingBag(mode='mean') with 2D input: gather then mean over bag dim
    gathered = jnp.take(emb_table, vectorized_text, axis=0)  # [B, L, D]
    pooled = jnp.mean(gathered, axis=1)  # [B, D]
    # nn.Linear: y = x @ W^T + b
    out = pooled @ W.T + b  # [B, OUTPUT_DIM]
    return out

if __name__ == "__main__":
    import jax
    _d = setup_inputs()
    print(jax.jit(kernel)(*tuple(_d.values())))

</pallas_src>

<mosaic_0001>
#map = affine_map<(d0, d1) -> (0, 0)>
module attributes {stable_mosaic.version = 14 : i64} {
  func.func @_pool_body(%arg0: i32, %arg1: i32, %arg2: memref<4096x50xi32, #tpu.memory_space<hbm>>, %arg3: memref<2000000x64xf32, #tpu.memory_space<hbm>>, %arg4: memref<4096x64xf32, #tpu.memory_space<hbm>>, %arg5: memref<128x50xi32, #tpu.memory_space<vmem>>, %arg6: memref<50x128xi32, #tpu.memory_space<vmem>>, %arg7: memref<128x64xf32, #tpu.memory_space<vmem>>, %arg8: memref<!tpu.dma_semaphore, #tpu.memory_space<semaphore_mem>>, %arg9: memref<!tpu.dma_semaphore, #tpu.memory_space<semaphore_mem>>) attributes {dimension_semantics = [#tpu.dimension_semantics<core_parallel>, #tpu.dimension_semantics<subcore_parallel>], iteration_bounds = array<i64: 2, 16>, scalar_prefetch = 0 : i64, scratch_operands = 5 : i64, tpu.core_type = #tpu.core_type<sc_vector_subcore>, window_params = [{transform_indices = #map}, {transform_indices = #map}, {transform_indices = #map}]} {
    %mul3A = arith.constant 2 : i32
    %mul3A_0 = arith.muli %arg1, %mul3A : i32
    %add3A = arith.addi %mul3A_0, %arg0 : i32
    %mul3A_1 = arith.constant 128 : i32
    %mul3A_2 = arith.muli %add3A, %mul3A_1 : i32
    %dma_start3A = arith.constant 0 : i32
    %dma_start3A_3 = tpu.memref_slice %arg2[%mul3A_2, %dma_start3A] : memref<4096x50xi32, #tpu.memory_space<hbm>> -> memref<128x50xi32, #tpu.memory_space<hbm>>
    %dma_start3A_4 = arith.constant 0 : i32
    %dma_start3A_5 = tpu.memref_slice %arg2[%mul3A_2, %dma_start3A_4] : memref<4096x50xi32, #tpu.memory_space<hbm>> -> memref<128x50xi32, #tpu.memory_space<hbm>>
    tpu.enqueue_dma source(%dma_start3A_5 : memref<128x50xi32, #tpu.memory_space<hbm>>) target(%arg5 : memref<128x50xi32, #tpu.memory_space<vmem>>) target_semaphore(%arg9 : memref<!tpu.dma_semaphore, #tpu.memory_space<semaphore_mem>>)
    %broadcast_in_dim3A = arith.constant 0.000000e+00 : f32
    %broadcast_in_dim3A_6 = vector.broadcast %broadcast_in_dim3A : f32 to vector<16xf32>
    %scan3A = arith.constant 0 : i32
    %scan3A_7 = arith.constant 0 : i32
    %scan3A_8 = arith.constant 128 : i32
    %scan3A_9 = arith.addi %scan3A_7, %scan3A_8 : i32
    %scan3A_10 = arith.constant 1 : i32
    scf.for %scan3A_33 = %scan3A_7 to %scan3A_9 step %scan3A_10  : i32 {
      %swap3A = arith.index_cast %scan3A_33 : i32 to index
      %swap3A_34 = arith.constant 0 : index
      %swap3A_35 = tpu.vector_load %arg7[%swap3A, %swap3A_34] {strides = array<i32>} : memref<128x64xf32, #tpu.memory_space<vmem>>, vector<16xf32>,
      tpu.vector_store %arg7[%swap3A, %swap3A_34], %broadcast_in_dim3A_6 {strides = array<i32>} : memref<128x64xf32, #tpu.memory_space<vmem>>, vector<16xf32>,
      %swap3A_36 = arith.index_cast %scan3A_33 : i32 to index
      %swap3A_37 = arith.constant 16 : index
      %swap3A_38 = tpu.vector_load %arg7[%swap3A_36, %swap3A_37] {strides = array<i32>} : memref<128x64xf32, #tpu.memory_space<vmem>>, vector<16xf32>,
      tpu.vector_store %arg7[%swap3A_36, %swap3A_37], %broadcast_in_dim3A_6 {strides = array<i32>} : memref<128x64xf32, #tpu.memory_space<vmem>>, vector<16xf32>,
      %swap3A_39 = arith.index_cast %scan3A_33 : i32 to index
      %swap3A_40 = arith.constant 32 : index
      %swap3A_41 = tpu.vector_load %arg7[%swap3A_39, %swap3A_40] {strides = array<i32>} : memref<128x64xf32, #tpu.memory_space<vmem>>, vector<16xf32>,
      tpu.vector_store %arg7[%swap3A_39, %swap3A_40], %broadcast_in_dim3A_6 {strides = array<i32>} : memref<128x64xf32, #tpu.memory_space<vmem>>, vector<16xf32>,
      %swap3A_42 = arith.index_cast %scan3A_33 : i32 to index
      %swap3A_43 = arith.constant 48 : index
      %swap3A_44 = tpu.vector_load %arg7[%swap3A_42, %swap3A_43] {strides = array<i32>} : memref<128x64xf32, #tpu.memory_space<vmem>>, vector<16xf32>,
      tpu.vector_store %arg7[%swap3A_42, %swap3A_43], %broadcast_in_dim3A_6 {strides = array<i32>} : memref<128x64xf32, #tpu.memory_space<vmem>>, vector<16xf32>,
    }
    %scan3A_11 = arith.constant 128 : i32
    %dma_wait3A = arith.constant 0 : i32
    %dma_wait3A_12 = tpu.memref_slice %arg2[%mul3A_2, %dma_wait3A] : memref<4096x50xi32, #tpu.memory_space<hbm>> -> memref<128x50xi32, #tpu.memory_space<hbm>>
    %dma_wait3A_13 = arith.constant 0 : i32
    %dma_wait3A_14 = tpu.memref_slice %arg2[%mul3A_2, %dma_wait3A_13] : memref<4096x50xi32, #tpu.memory_space<hbm>> -> memref<128x50xi32, #tpu.memory_space<hbm>>
    tpu.wait_dma2 semaphore(%arg9 : memref<!tpu.dma_semaphore, #tpu.memory_space<semaphore_mem>>) src(%dma_wait3A_14 : memref<128x50xi32, #tpu.memory_space<hbm>>) dst(%arg5 : memref<128x50xi32, #tpu.memory_space<vmem>>)
    %iota3A = tpu.iota {dimensions = array<i32: 0>} : vector<16xi32>
    %scan3A_15 = arith.constant 0 : i32
    %scan3A_16 = arith.constant 0 : i32
    %scan3A_17 = arith.constant 50 : i32
    %scan3A_18 = arith.addi %scan3A_16, %scan3A_17 : i32
    %scan3A_19 = arith.constant 1 : i32
    scf.for %scan3A_33 = %scan3A_16 to %scan3A_18 step %scan3A_19  : i32 {
      %broadcast_in_dim3A_34 = vector.broadcast %scan3A_33 : i32 to vector<16xi32>
      %add3A_35 = arith.constant 0 : i32
      %add3A_36 = vector.broadcast %add3A_35 : i32 to vector<16xi32>
      %add3A_37 = arith.addi %iota3A, %add3A_36 : vector<16xi32>
      %gather3A = tpu.vector_load_idx %arg5[%add3A_37, %broadcast_in_dim3A_34] : memref<128x50xi32, #tpu.memory_space<vmem>>[vector<16xi32>, vector<16xi32>], vector<16xi32>,
      %add3A_38 = arith.addi %gather3A, %gather3A : vector<16xi32>
      %swap3A = arith.index_cast %scan3A_33 : i32 to index
      %swap3A_39 = arith.constant 0 : index
      %swap3A_40 = tpu.vector_load %arg6[%swap3A, %swap3A_39] {strides = array<i32>} : memref<50x128xi32, #tpu.memory_space<vmem>>, vector<16xi32>,
      tpu.vector_store %arg6[%swap3A, %swap3A_39], %add3A_38 {strides = array<i32>} : memref<50x128xi32, #tpu.memory_space<vmem>>, vector<16xi32>,
      %add3A_41 = arith.constant 16 : i32
      %add3A_42 = vector.broadcast %add3A_41 : i32 to vector<16xi32>
      %add3A_43 = arith.addi %iota3A, %add3A_42 : vector<16xi32>
      %gather3A_44 = tpu.vector_load_idx %arg5[%add3A_43, %broadcast_in_dim3A_34] : memref<128x50xi32, #tpu.memory_space<vmem>>[vector<16xi32>, vector<16xi32>], vector<16xi32>,
      %add3A_45 = arith.addi %gather3A_44, %gather3A_44 : vector<16xi32>
      %swap3A_46 = arith.index_cast %scan3A_33 : i32 to index
      %swap3A_47 = arith.constant 16 : index
      %swap3A_48 = tpu.vector_load %arg6[%swap3A_46, %swap3A_47] {strides = array<i32>} : memref<50x128xi32, #tpu.memory_space<vmem>>, vector<16xi32>,
      tpu.vector_store %arg6[%swap3A_46, %swap3A_47], %add3A_45 {strides = array<i32>} : memref<50x128xi32, #tpu.memory_space<vmem>>, vector<16xi32>,
      %add3A_49 = arith.constant 32 : i32
      %add3A_50 = vector.broadcast %add3A_49 : i32 to vector<16xi32>
      %add3A_51 = arith.addi %iota3A, %add3A_50 : vector<16xi32>
      %gather3A_52 = tpu.vector_load_idx %arg5[%add3A_51, %broadcast_in_dim3A_34] : memref<128x50xi32, #tpu.memory_space<vmem>>[vector<16xi32>, vector<16xi32>], vector<16xi32>,
      %add3A_53 = arith.addi %gather3A_52, %gather3A_52 : vector<16xi32>
      %swap3A_54 = arith.index_cast %scan3A_33 : i32 to index
      %swap3A_55 = arith.constant 32 : index
      %swap3A_56 = tpu.vector_load %arg6[%swap3A_54, %swap3A_55] {strides = array<i32>} : memref<50x128xi32, #tpu.memory_space<vmem>>, vector<16xi32>,
      tpu.vector_store %arg6[%swap3A_54, %swap3A_55], %add3A_53 {strides = array<i32>} : memref<50x128xi32, #tpu.memory_space<vmem>>, vector<16xi32>,
      %add3A_57 = arith.constant 48 : i32
      %add3A_58 = vector.broadcast %add3A_57 : i32 to vector<16xi32>
      %add3A_59 = arith.addi %iota3A, %add3A_58 : vector<16xi32>
      %gather3A_60 = tpu.vector_load_idx %arg5[%add3A_59, %broadcast_in_dim3A_34] : memref<128x50xi32, #tpu.memory_space<vmem>>[vector<16xi32>, vector<16xi32>], vector<16xi32>,
      %add3A_61 = arith.addi %gather3A_60, %gather3A_60 : vector<16xi32>
      %swap3A_62 = arith.index_cast %scan3A_33 : i32 to index
      %swap3A_63 = arith.constant 48 : index
      %swap3A_64 = tpu.vector_load %arg6[%swap3A_62, %swap3A_63] {strides = array<i32>} : memref<50x128xi32, #tpu.memory_space<vmem>>, vector<16xi32>,
      tpu.vector_store %arg6[%swap3A_62, %swap3A_63], %add3A_61 {strides = array<i32>} : memref<50x128xi32, #tpu.memory_space<vmem>>, vector<16xi32>,
      %add3A_65 = arith.constant 64 : i32
      %add3A_66 = vector.broadcast %add3A_65 : i32 to vector<16xi32>
      %add3A_67 = arith.addi %iota3A, %add3A_66 : vector<16xi32>
      %gather3A_68 = tpu.vector_load_idx %arg5[%add3A_67, %broadcast_in_dim3A_34] : memref<128x50xi32, #tpu.memory_space<vmem>>[vector<16xi32>, vector<16xi32>], vector<16xi32>,
      %add3A_69 = arith.addi %gather3A_68, %gather3A_68 : vector<16xi32>
      %swap3A_70 = arith.index_cast %scan3A_33 : i32 to index
      %swap3A_71 = arith.constant 64 : index
      %swap3A_72 = tpu.vector_load %arg6[%swap3A_70, %swap3A_71] {strides = array<i32>} : memref<50x128xi32, #tpu.memory_space<vmem>>, vector<16xi32>,
      tpu.vector_store %arg6[%swap3A_70, %swap3A_71], %add3A_69 {strides = array<i32>} : memref<50x128xi32, #tpu.memory_space<vmem>>, vector<16xi32>,
      %add3A_73 = arith.constant 80 : i32
      %add3A_74 = vector.broadcast %add3A_73 : i32 to vector<16xi32>
      %add3A_75 = arith.addi %iota3A, %add3A_74 : vector<16xi32>
      %gather3A_76 = tpu.vector_load_idx %arg5[%add3A_75, %broadcast_in_dim3A_34] : memref<128x50xi32, #tpu.memory_space<vmem>>[vector<16xi32>, vector<16xi32>], vector<16xi32>,
      %add3A_77 = arith.addi %gather3A_76, %gather3A_76 : vector<16xi32>
      %swap3A_78 = arith.index_cast %scan3A_33 : i32 to index
      %swap3A_79 = arith.constant 80 : index
      %swap3A_80 = tpu.vector_load %arg6[%swap3A_78, %swap3A_79] {strides = array<i32>} : memref<50x128xi32, #tpu.memory_space<vmem>>, vector<16xi32>,
      tpu.vector_store %arg6[%swap3A_78, %swap3A_79], %add3A_77 {strides = array<i32>} : memref<50x128xi32, #tpu.memory_space<vmem>>, vector<16xi32>,
      %add3A_81 = arith.constant 96 : i32
      %add3A_82 = vector.broadcast %add3A_81 : i32 to vector<16xi32>
      %add3A_83 = arith.addi %iota3A, %add3A_82 : vector<16xi32>
      %gather3A_84 = tpu.vector_load_idx %arg5[%add3A_83, %broadcast_in_dim3A_34] : memref<128x50xi32, #tpu.memory_space<vmem>>[vector<16xi32>, vector<16xi32>], vector<16xi32>,
      %add3A_85 = arith.addi %gather3A_84, %gather3A_84 : vector<16xi32>
      %swap3A_86 = arith.index_cast %scan3A_33 : i32 to index
      %swap3A_87 = arith.constant 96 : index
      %swap3A_88 = tpu.vector_load %arg6[%swap3A_86, %swap3A_87] {strides = array<i32>} : memref<50x128xi32, #tpu.memory_space<vmem>>, vector<16xi32>,
      tpu.vector_store %arg6[%swap3A_86, %swap3A_87], %add3A_85 {strides = array<i32>} : memref<50x128xi32, #tpu.memory_space<vmem>>, vector<16xi32>,
      %add3A_89 = arith.constant 112 : i32
      %add3A_90 = vector.broadcast %add3A_89 : i32 to vector<16xi32>
      %add3A_91 = arith.addi %iota3A, %add3A_90 : vector<16xi32>
      %gather3A_92 = tpu.vector_load_idx %arg5[%add3A_91, %broadcast_in_dim3A_34] : memref<128x50xi32, #tpu.memory_space<vmem>>[vector<16xi32>, vector<16xi32>], vector<16xi32>,
      %add3A_93 = arith.addi %gather3A_92, %gather3A_92 : vector<16xi32>
      %swap3A_94 = arith.index_cast %scan3A_33 : i32 to index
      %swap3A_95 = arith.constant 112 : index
      %swap3A_96 = tpu.vector_load %arg6[%swap3A_94, %swap3A_95] {strides = array<i32>} : memref<50x128xi32, #tpu.memory_space<vmem>>, vector<16xi32>,
      tpu.vector_store %arg6[%swap3A_94, %swap3A_95], %add3A_93 {strides = array<i32>} : memref<50x128xi32, #tpu.memory_space<vmem>>, vector<16xi32>,
    }
    %scan3A_20 = arith.constant 50 : i32
    %scan3A_21 = arith.constant 0 : i32
    %scan3A_22 = arith.constant 0 : i32
    %scan3A_23 = arith.constant 50 : i32
    %scan3A_24 = arith.addi %scan3A_22, %scan3A_23 : i32
    %scan3A_25 = arith.constant 1 : i32
    scf.for %scan3A_33 = %scan3A_22 to %scan3A_24 step %scan3A_25  : i32 {
      %dma_start3A_34 = arith.constant 0 : i32
      %dma_start3A_35 = tpu.memref_slice %arg6[%scan3A_33, %dma_start3A_34] : memref<50x128xi32, #tpu.memory_space<vmem>> -> memref<1x128xi32, #tpu.memory_space<vmem>>
      %dma_start3A_36 = tpu.memref_squeeze %dma_start3A_35 : memref<1x128xi32, #tpu.memory_space<vmem>> -> memref<128xi32, #tpu.memory_space<vmem>>
      %dma_start3A_37 = arith.constant 0 : i32
      %dma_start3A_38 = arith.constant 0 : i32
      %dma_start3A_39 = tpu.memref_slice %arg3[%dma_start3A_37, %dma_start3A_38] : memref<2000000x64xf32, #tpu.memory_space<hbm>> -> memref<2000000x64xf32, #tpu.memory_space<hbm>>
      tpu.enqueue_indirect_dma source(%dma_start3A_39 : memref<2000000x64xf32, #tpu.memory_space<hbm>>) target(%arg7 : memref<128x64xf32, #tpu.memory_space<vmem>>) offsets(%dma_start3A_36 : memref<128xi32, #tpu.memory_space<vmem>>) semaphore(%arg8 : memref<!tpu.dma_semaphore, #tpu.memory_space<semaphore_mem>>) {add = true}
    }
    %scan3A_26 = arith.constant 50 : i32
    %scan3A_27 = arith.constant 0 : i32
    %scan3A_28 = arith.constant 0 : i32
    %scan3A_29 = arith.constant 50 : i32
    %scan3A_30 = arith.addi %scan3A_28, %scan3A_29 : i32
    %scan3A_31 = arith.constant 1 : i32
    scf.for %scan3A_33 = %scan3A_28 to %scan3A_30 step %scan3A_31  : i32 {
      %dma_wait3A_34 = arith.constant 0 : i32
      %dma_wait3A_35 = arith.constant 0 : i32
      %dma_wait3A_36 = tpu.memref_slice %arg6[%dma_wait3A_34, %dma_wait3A_35] : memref<50x128xi32, #tpu.memory_space<vmem>> -> memref<1x128xi32, #tpu.memory_space<vmem>>
      %dma_wait3A_37 = tpu.memref_squeeze %dma_wait3A_36 : memref<1x128xi32, #tpu.memory_space<vmem>> -> memref<128xi32, #tpu.memory_space<vmem>>
      %dma_wait3A_38 = arith.constant 0 : i32
      %dma_wait3A_39 = arith.constant 0 : i32
      %dma_wait3A_40 = tpu.memref_slice %arg3[%dma_wait3A_38, %dma_wait3A_39] : memref<2000000x64xf32, #tpu.memory_space<hbm>> -> memref<2000000x64xf32, #tpu.memory_space<hbm>>
      tpu.wait_indirect_dma semaphore(%arg8 : memref<!tpu.dma_semaphore, #tpu.memory_space<semaphore_mem>>) src(%dma_wait3A_40 : memref<2000000x64xf32, #tpu.memory_space<hbm>>) dst(%arg7 : memref<128x64xf32, #tpu.memory_space<vmem>>)
    }
    %scan3A_32 = arith.constant 50 : i32
    "tpu.region"() ({
      %run_scoped3A = tpu.sem_alloc : memref<!tpu.dma_semaphore, #tpu.memory_space<semaphore_mem>>
      %dma_start3A_33 = arith.constant 0 : i32
      %dma_start3A_34 = tpu.memref_slice %arg4[%mul3A_2, %dma_start3A_33] : memref<4096x64xf32, #tpu.memory_space<hbm>> -> memref<128x64xf32, #tpu.memory_space<hbm>>
      %dma_start3A_35 = arith.constant 0 : i32
      %dma_start3A_36 = tpu.memref_slice %arg4[%mul3A_2, %dma_start3A_35] : memref<4096x64xf32, #tpu.memory_space<hbm>> -> memref<128x64xf32, #tpu.memory_space<hbm>>
      tpu.enqueue_dma source(%arg7 : memref<128x64xf32, #tpu.memory_space<vmem>>) target(%dma_start3A_36 : memref<128x64xf32, #tpu.memory_space<hbm>>) target_semaphore(%run_scoped3A : memref<!tpu.dma_semaphore, #tpu.memory_space<semaphore_mem>>)
      %dma_wait3A_37 = arith.constant 0 : i32
      %dma_wait3A_38 = tpu.memref_slice %arg4[%mul3A_2, %dma_wait3A_37] : memref<4096x64xf32, #tpu.memory_space<hbm>> -> memref<128x64xf32, #tpu.memory_space<hbm>>
      %dma_wait3A_39 = arith.constant 0 : i32
      %dma_wait3A_40 = tpu.memref_slice %arg4[%mul3A_2, %dma_wait3A_39] : memref<4096x64xf32, #tpu.memory_space<hbm>> -> memref<128x64xf32, #tpu.memory_space<hbm>>
      tpu.wait_dma2 semaphore(%run_scoped3A : memref<!tpu.dma_semaphore, #tpu.memory_space<semaphore_mem>>) src(%arg7 : memref<128x64xf32, #tpu.memory_space<vmem>>) dst(%dma_wait3A_40 : memref<128x64xf32, #tpu.memory_space<hbm>>)
      tpu.yield
    }) : () -> ()
    return
  }
}

module attributes {stable_mosaic.version = 14 : i64} {
  func.func @_repack_body(%arg0: i32, %arg1: memref<64x40960xf32, #tpu.memory_space<vmem>>, %arg2: memref<40960x128xf32, #tpu.memory_space<vmem>>) attributes {dimension_semantics = [#tpu.dimension_semantics<arbitrary>], iteration_bounds = array<i64: 25>, scalar_prefetch = 0 : i64, scratch_operands = 0 : i64, tpu.core_type = #tpu.core_type<tc>, window_params = [{transform_indices = @transform_0, window_bounds = array<i64: 64, 40960>}, {transform_indices = @transform_1, window_bounds = array<i64: 40960, 128>}]} {
    %get3A = arith.constant 0 : index
    %get3A_0 = arith.constant 0 : index
    %get3A_1 = vector.load %arg1[%get3A, %get3A_0] : memref<64x40960xf32, #tpu.memory_space<vmem>>, vector<64x40960xf32>
    %transpose3A = tpu.transpose %get3A_1, [1, 0] : vector<64x40960xf32> -> vector<40960x64xf32>
    %swap3A = arith.constant 0 : index
    %swap3A_2 = arith.constant 0 : index
    %swap3A_3 = vector.load %arg2[%swap3A, %swap3A_2] : memref<40960x128xf32, #tpu.memory_space<vmem>>, vector<40960x64xf32>
    tpu.vector_store %arg2[%swap3A, %swap3A_2], %transpose3A {strides = array<i32>} : memref<40960x128xf32, #tpu.memory_space<vmem>>, vector<40960x64xf32>,
    return
  }
  func.func @transform_0(%arg0: i32) -> (i32, i32) {
    %c0_i32 = arith.constant 0 : i32
    %c0_i32_0 = arith.constant 0 : i32
    return %c0_i32, %arg0 : i32, i32
  }
  func.func @transform_1(%arg0: i32) -> (i32, i32) {
    %c0_i32 = arith.constant 0 : i32
    %c0_i32_0 = arith.constant 0 : i32
    return %arg0, %c0_i32 : i32, i32
  }
}

module attributes {stable_mosaic.version = 14 : i64} {
  func.func @_linear_body(%arg0: i32, %arg1: memref<512x64xf32, #tpu.memory_space<vmem>>, %arg2: memref<128x64xf32, #tpu.memory_space<vmem>>, %arg3: memref<1x128xf32, #tpu.memory_space<vmem>>, %arg4: memref<512x128xf32, #tpu.memory_space<vmem>>) attributes {dimension_semantics = [#tpu.dimension_semantics<arbitrary>], iteration_bounds = array<i64: 8>, scalar_prefetch = 0 : i64, scratch_operands = 0 : i64, tpu.core_type = #tpu.core_type<tc>, window_params = [{transform_indices = @transform_0, window_bounds = array<i64: 512, 64>}, {pipeline_mode = #tpu.pipeline_mode<synchronous>, transform_indices = @transform_1, window_bounds = array<i64: 128, 64>}, {pipeline_mode = #tpu.pipeline_mode<synchronous>, transform_indices = @transform_2, window_bounds = array<i64: 1, 128>}, {transform_indices = @transform_3, window_bounds = array<i64: 512, 128>}]} {
    %get3A = arith.constant 0 : index
    %get3A_0 = arith.constant 0 : index
    %get3A_1 = vector.load %arg1[%get3A, %get3A_0] : memref<512x64xf32, #tpu.memory_space<vmem>>, vector<512x64xf32>
    %mul3A = arith.constant 2.000000e-02 : f32
    %mul3A_2 = vector.broadcast %mul3A : f32 to vector<512x64xf32>
    %mul3A_3 = arith.mulf %get3A_1, %mul3A_2 : vector<512x64xf32>
    %get3A_4 = arith.constant 0 : index
    %get3A_5 = arith.constant 0 : index
    %get3A_6 = vector.load %arg2[%get3A_4, %get3A_5] : memref<128x64xf32, #tpu.memory_space<vmem>>, vector<128x64xf32>
    %dot_general3A = arith.constant dense<0.000000e+00> : vector<512x128xf32>
    %dot_general3A_7 = tpu.matmul %mul3A_3, %get3A_6, %dot_general3A {dimension_numbers = #tpu.dot_dimension_numbers<[1], [1], [0], [0], [0, 0, 1, 0], [], []>, transpose_lhs_hint = false} : vector<512x64xf32>, vector<128x64xf32>, vector<512x128xf32> -> vector<512x128xf32>
    %get3A_8 = arith.constant 0 : index
    %get3A_9 = arith.constant 0 : index
    %get3A_10 = vector.load %arg3[%get3A_8, %get3A_9] : memref<1x128xf32, #tpu.memory_space<vmem>>, vector<1x128xf32>
    %add3A = vector.broadcast %get3A_10 : vector<1x128xf32> to vector<512x128xf32>
    %add3A_11 = arith.addf %dot_general3A_7, %add3A : vector<512x128xf32>
    %swap3A = arith.constant 0 : index
    %swap3A_12 = arith.constant 0 : index
    %swap3A_13 = vector.load %arg4[%swap3A, %swap3A_12] : memref<512x128xf32, #tpu.memory_space<vmem>>, vector<512x128xf32>
    tpu.vector_store %arg4[%swap3A, %swap3A_12], %add3A_11 {strides = array<i32>} : memref<512x128xf32, #tpu.memory_space<vmem>>, vector<512x128xf32>,
    return
  }
  func.func @transform_0(%arg0: i32) -> (i32, i32) {
    %c0_i32 = arith.constant 0 : i32
    %c0_i32_0 = arith.constant 0 : i32
    return %arg0, %c0_i32 : i32, i32
  }
  func.func @transform_1(%arg0: i32) -> (i32, i32) {
    %c0_i32 = arith.constant 0 : i32
    %c0_i32_0 = arith.constant 0 : i32
    %c0_i32_1 = arith.constant 0 : i32
    return %c0_i32, %c0_i32_0 : i32, i32
  }
  func.func @transform_2(%arg0: i32) -> (i32, i32) {
    %c0_i32 = arith.constant 0 : i32
    %c0_i32_0 = arith.constant 0 : i32
    %c0_i32_1 = arith.constant 0 : i32
    return %c0_i32, %c0_i32_0 : i32, i32
  }
  func.func @transform_3(%arg0: i32) -> (i32, i32) {
    %c0_i32 = arith.constant 0 : i32
    %c0_i32_0 = arith.constant 0 : i32
    return %arg0, %c0_i32 : i32, i32
  }
}

</mosaic_0001>

<sc_bundles>
// kernel: kernel.5.cloned.1.call-start
scs
__scs_entry_jumppad:
0x0: {  	(pc) =	sbr.rel $0x88, $3  }
0x1: {  	(tag) =	ssettag $0x0;
	lr =	simm.s32 $0x1  }
0x2: {  	[smem:$0x3F9D] =	sst lr;
	_ =	strace $0xD0000000  }
0x3: {  	_ = 	snop  }
0x4: {  	_ = 	snop  }
0x5: {  	_ = 	snop  }
0x6: {  	_ = 	snop  }
0x7: {  	_ = 	snop  }
__scs_overlays_trampoline_lowered:
0x8: {  	[smem:$0x3FAC] =	sst s0  }
0x9: {  	[smem:$0x3FAD] =	sst s1  }
0xa: {  	[smem:$0x3FAE] =	sst s2  }
0xb: {  	[smem:$0x3FAF] =	sst s3  }
0xc: {  	[smem:$0x3FB0] =	sst s4  }
0xd: {  	[smem:$0x3FB1] =	sst s5  }
0xe: {  	[smem:$0x3FB2] =	sst s6  }
0xf: {  	[smem:$0x3FB3] =	sst s7  }
0x10: {  	[smem:$0x3FB4] =	sst s8  }
0x11: {  	[smem:$0x3FB5] =	sst s9;
	s0 =	simm.s32 @!p0 $0x0  }
0x12: {  	s1 =	sld [smem:$0x3F9B];
	s0 =	simm.s32 @p0 $0x1  }
0x13: {  	[smem:$0x3FB6] =	sst s0;
	s0 =	simm.s32 @!p1 $0x0  }
0x14: {  	s2 =	sld [smem:$0x3F9A];
	s0 =	simm.s32 @p1 $0x1  }
0x15: {  	[smem:$0x3FB7] =	sst s0;
	s0 =	simm.s32 @!p2 $0x0  }
0x16: {  	s3 =	sld [smem:$0x3FDB];
	s0 =	simm.s32 @p2 $0x1  }
0x17: {  	s4 =	simm.s32 $0x1BF5;
	[smem:$0x3FB9] =	sst s0  }
0x18: {  	s0 =	sld [smem:$0x3F9C];
	_ =	swait.ge [sflag:s4], $0x0  }
0x19: {  	s7 =	sld [smem:$0x3F9D]  }
0x1a: {  	s8 =	sadd.s32 $0xFFFFE003, lr  }
0x1b: {  	s9 =	sadd.s32 $0xFFFFFEF7, lr;
	s5 =	simm.s32 $0xFFFFFFFF;
	p2 =	slt.u32 s8, $0xFFFFF086  }
0x1c: {  	p1 =	slt.u32 s9, $0xF7A;
	s5 =	simm.s32 @!p2 $0x0  }
0x1d: {  	s5 =	simm.s32 @p1 $0x1;
	p0 =	seq.s32 s7, s2  }
0x1e: {  	s7 =	smul.u32 @!p0 $0xF7A, s2;
	p2 =	seq.s32 @!p0 s5, $0x0  }
0x1f: {  	s9 =	smul.u32 $0xF7A, s1;
	s8 =	simm.s32 @!p0 $0x1BF5;
	p2 =	por !p2, p0  }
0x20: {  	[sflag:s8] =	ssyncset.s32 @!p0 $0xFFFFF086;
	s6 =	sadd.s32 @!p0 s3, s7;
	s7 =	simm.s32 @!p0 $0x108  }
0x21: {  	s3 =	sadd.s32 s3, s9;
	s6 =	sadd.s32 @!p0 $0x88, s6;
	s7 =	simm.s32 @p2 $0x1082  }
0x22: {  	[simem:s7], [sflag:s8] =	dma.local @!p0 [hbm:s6], $0xF7A  }
0x23: {  	s9 =	sor.u32 $0xD0000000, s2;
	s6 =	simm.s32 $0x108;
	_ =	swait.ge @!p0 [sflag:s8], $0x0  }
0x24: {  	s3 =	sadd.s32 $0x88, s3;
	s6 =	simm.s32 @!p1 $0x1082;
	[sflag:s4] =	ssyncset.s32 $0xFFFFF086  }
0x25: {  	[simem:s6], [sflag:s4] =	dma.local [hbm:s3], $0xF7A  }
0x26: {  	[smem:$0x3F9D] =	sst s1;
	(tag) =	ssettag s2;
	_ =	strace s9  }
0x27: {  	s1 =	sld [smem:$0x3FAD]  }
0x28: {  	s2 =	sld [smem:$0x3FAE]  }
0x29: {  	s4 =	sld [smem:$0x3FB0]  }
0x2a: {  	p0 =	seq.s32 s5, $0x0;
	s5 =	sld [smem:$0x3FB1]  }
0x2b: {  	s6 =	sld [smem:$0x3FB2]  }
0x2c: {  	s7 =	sld [smem:$0x3FB3]  }
0x2d: {  	s3 =	simm.s32 $0x108;
	s8 =	sld [smem:$0x3FB4]  }
0x2e: {  	s3 =	simm.s32 @!p0 $0x1082;
	s9 =	sld [smem:$0x3FB5]  }
0x2f: {  	lr =	sadd.s32 s0, s3;
	s0 =	sld [smem:$0x3FAC]  }
0x30: {  	s3 =	sld [smem:$0x3FAF]  }
0x31: {  	[smem:$0x3FB8] =	sst s10  }
0x32: {  	s10 =	sld [smem:$0x3FB6];
	_ =	sdelay $0x3  }
0x33: {  	p0 =	seq.s32 s10, $0x1;
	s10 =	sld [smem:$0x3FB8];
	_ =	sdelay $0x3  }
0x34: {  	[smem:$0x3FB8] =	sst s10  }
0x35: {  	s10 =	sld [smem:$0x3FB7];
	_ =	sdelay $0x3  }
0x36: {  	p1 =	seq.s32 s10, $0x1;
	s10 =	sld [smem:$0x3FB8];
	_ =	sdelay $0x3  }
0x37: {  	[smem:$0x3FB8] =	sst s10  }
0x38: {  	s10 =	sld [smem:$0x3FB9]  }
0x39: {  	_ = 	snop;
	(pc) =	sbr.ind lr, $3  }
0x3a: {  	_ = 	snop  }
0x3b: {  	_ = 	snop  }
0x3c: {  	p2 =	seq.s32 s10, $0x1;
	s10 =	sld [smem:$0x3FB8]  }
0x3d: {  	_ =	shalt  }
0x3e: {  	_ =	shalt  }
0x3f: {  	_ =	shalt  }
0x40: {  	_ =	shalt  }
0x41: {  	_ =	shalt  }
0x42: {  	_ =	shalt  }
0x43: {  	_ =	shalt  }
0x44: {  	_ =	shalt  }
0x45: {  	_ =	shalt  }
0x46: {  	_ =	shalt  }
0x47: {  	_ =	shalt  }
0x48: {  	_ =	shalt  }
0x49: {  	_ =	shalt  }
0x4a: {  	_ =	shalt  }
0x4b: {  	_ =	shalt  }
0x4c: {  	_ =	shalt  }
0x4d: {  	_ =	shalt  }
0x4e: {  	_ =	shalt  }
0x4f: {  	_ =	shalt  }
0x50: {  	_ =	shalt  }
0x51: {  	_ =	shalt  }
0x52: {  	_ =	shalt  }
0x53: {  	_ =	shalt  }
0x54: {  	_ =	shalt  }
0x55: {  	_ =	shalt  }
0x56: {  	_ =	shalt  }
0x57: {  	_ =	shalt  }
0x58: {  	_ =	shalt  }
0x59: {  	_ =	shalt  }
0x5a: {  	_ =	shalt  }
0x5b: {  	_ =	shalt  }
0x5c: {  	_ =	shalt  }
0x5d: {  	_ =	shalt  }
0x5e: {  	_ =	shalt  }
0x5f: {  	_ =	shalt  }
0x60: {  	_ =	shalt  }
0x61: {  	_ =	shalt  }
0x62: {  	_ =	shalt  }
0x63: {  	_ =	shalt  }
0x64: {  	_ =	shalt  }
0x65: {  	_ =	shalt  }
0x66: {  	_ =	shalt  }
0x67: {  	_ =	shalt  }
0x68: {  	_ =	shalt  }
0x69: {  	_ =	shalt  }
0x6a: {  	_ =	shalt  }
0x6b: {  	_ =	shalt  }
0x6c: {  	_ =	shalt  }
0x6d: {  	_ =	shalt  }
0x6e: {  	_ =	shalt  }
0x6f: {  	_ =	shalt  }
0x70: {  	_ =	shalt  }
0x71: {  	_ =	shalt  }
0x72: {  	_ =	shalt  }
0x73: {  	_ =	shalt  }
0x74: {  	_ =	shalt  }
0x75: {  	_ =	shalt  }
0x76: {  	_ =	shalt  }
0x77: {  	_ =	shalt  }
0x78: {  	_ =	shalt  }
0x79: {  	_ =	shalt  }
0x7a: {  	_ =	shalt  }
0x7b: {  	_ =	shalt  }
0x7c: {  	_ =	shalt  }
0x7d: {  	_ =	shalt  }
0x7e: {  	_ =	shalt  }
0x7f: {  	_ =	shalt  }
0x80: {  	_ =	shalt  }
0x81: {  	_ =	shalt  }
0x82: {  	_ =	shalt  }
0x83: {  	_ =	shalt  }
0x84: {  	_ =	shalt  }
0x85: {  	_ =	shalt  }
0x86: {  	_ =	shalt  }
0x87: {  	_ =	shalt  }
.Lfunc_end0:
.L_simem_size_0:
called_computation_lowered:
.L_overlay_start_0:
0x88: {  	s2 =	sld [smem:$0x3FD9]  }
0x89: {  	s3 =	sld [smem:$0x3FFE];
	_ =	sdelay $0x1  }
0x8a: {  	s1 =	srdreg.scid  }
0x8b: {  	s0 =	sand.u32 $0x1, s1  }
0x8c: {  	s17 =	sshll.u32 s0, $0xA;
	s2 =	sadd.s32 s3, s2  }
0x8d: {  	s2 =	sadd.s32 s2, s17  }
0x8e: {  	[smem:$0x3FC4] =	sst s2  }
0x8f: {  	_ = 	snop  }
0x90: {  	s2 =	sld [smem:$0x3FD0];
	(tm) =	ssettm $0x1  }
0x91: {  	s18 =	sld [smem:$0x3FFB];
	_ =	sdelay $0x3  }
0x92: {  	_ =	strace s18  }
0x93: {  	s3 =	sld [smem:$0x3FFC];
	_ =	sdelay $0x3  }
0x94: {  	_ =	strace s3  }
0x95: {  	s3 =	sld [smem:$0x3FFD];
	_ =	sdelay $0x3  }
0x96: {  	_ =	strace s3  }
0x97: {  	_ =	strace $0x8FFFFFFF  }
0x98: {  	s19 =	sld [smem:$0x3FDB];
	_ =	sdelay $0x1  }
0x99: {  	s4 =	simm.s32 $_scs_section_size  }
0x9a: {  	s5 =	simm.s32 $_size__tile_overlayer_lowered;
	s6 =	simm.s32 $_tile_overlayer_lowered  }
0x9b: {  	s22 =	simm.s32 $0x1BFF;
	s21 =	sshll.u32 s6, $0x1;
	s3 =	sadd.s32 s4, s19  }
0x9c: {  	s7 =	simm.s32 $0x0;
	s20 =	sshll.u32 s5, $0x1;
	s5 =	sadd.s32 s21, s3  }
0x9d: {  	[timem:s7], [sflag:s22] =	dma.local [hbm:s5], s20  }
0x9e: {  	_ =	swait.ge [sflag:s22], s20  }
0x9f: {  	s4 =	ssub.s32 $0x0, s20;
	[sflag:s22] =	ssyncset.done $0x0  }
0xa0: {  	[sflag:s22] =	ssyncadd.s32 s4;
	_ =	sdelay $0x1  }
0xa1: {  	s23 =	simm.s32 $0x1B8B  }
0xa2: {  	_ =	swait.ge [sflag:s23], $0x1  }
0xa3: {  	[sflag:s23] =	ssyncset.done $0x0  }
0xa4: {  	s25 =	simm.s32 $0x1B8E;
	s24 =	sld [smem:$0x3FFE];
	[sflag:s23] =	ssyncadd.s32 $0xFFFFFFFF  }
0xa5: {  	s26 =	simm.s32 $execute0_lowered;
	[smem:$0x3FD2] =	sst s25  }
0xa6: {  	s5 =	sshll.u32 s26, $0x1;
	_ =	strace $0x80000046;
	[dreg:$0x1] =	wrdreg $0xFFFFFFFF  }
0xa7: {  	s28 =	simm.s32 $_size_execute0_lowered;
	s3 =	sadd.s32 s3, s5;
	[dreg:$0x0] =	wrdreg $0x0  }
0xa8: {  	s5 =	sshll.u32 s28, $0x1;
	[dreg:$0x2] =	wrdreg s3  }
0xa9: {  	[dreg:$0x3] =	wrdreg s5  }
0xaa: {  	[dreg:$0x4] =	wrdreg $0xC0  }
0xab: {  	_ =	task [dreg:s7], $0x5FFFF  }
0xac: {  	[dreg:$0x1] =	wrdreg $0xFFFFFFFF  }
0xad: {  	[dreg:$0x0] =	wrdreg $0x60  }
0xae: {  	[dreg:$0x2] =	wrdreg s24  }
0xaf: {  	[dreg:$0x3] =	wrdreg s2  }
0xb0: {  	[dreg:$0x4] =	wrdreg $0x9  }
0xb1: {  	_ =	task.clear_ibuf [dreg:s7], $0x5FFFF;
	_ =	strace $0x90000046  }
0xb2: {  	s29 =	simm.s32 $0x9;
	_ =	strace $0x80000048  }
0xb3: {  	_ =	swait.ge [sflag:s29], $0x1  }
0xb4: {  	[sflag:s29] =	ssyncadd.s32 $0xFFFFFFFF  }
0xb5: {  	_ =	strace $0x90000048  }
0xb6: {  	_ =	sfence  }
0xb7: {  	s30 =	sld [smem:$0x0];
	_ =	sdelay $0x2  }
0xb8: {  	s31 =	sshll.u32 s1, $0xD;
	s1 =	sshrl.u32 s1, $0x2  }
0xb9: {  	s3 =	sand.u32 $0x4000, s31;
	s1 =	sadd.s32 s1, s30  }
0xba: {  	s0 =	sor.u32 s3, s0;
	s1 =	sshll.u32 s1, $0x11  }
0xbb: {  	s0 =	sor.u32 s1, s0  }
0xbc: {  	s0 =	sadd.s32 $0x8F2B, s0  }
0xbd: {  	[sflag:s0] =	ssyncadd.remote.s32 $0x1  }
0xbe: {  	_ =	sfence.sel $0xFFFF  }
0xbf: {  	[dreg:$0x0] =	wrdreg $0xFFFFFFFF;
	(pc) =	sbr.abs _section_cstart, $3  }
0xc0: {  	[dreg:$0x1] =	wrdreg $0xFFFFFFFF  }
0xc1: {  	_ =	task.clear_ibuf [dreg:s7], $0x2FFFF;
	_ =	strace $0x9FFFFFFF  }
0xc2: {  	(tm) =	ssettm $0x7FFFFFFF  }
0xc3: {  	_ =	shalt  }
tec
execute0_lowered:
.L_overlay_start_1:
0x0: {  	(tag) =	ssettag $0x1  }
0x1: {  	s1 =	srdreg.scid;
	s4 =	rddreg [dreg:$0x0]  }
0x2: {  	s0 =	stileid.u32;
	s5 =	rddreg [dreg:$0x1]  }
0x3: {  	s10 =	simm.s32 $0x1;
	s11 =	simm.s32 $0x3;
	s12 =	simm.s32 $0x0  }
0x4: {  	s3 =	sand.u32 $0x1, s1;
	s31 =	sshll.u32 s0, $0x8;
	s1 =	rddreg [dreg:$0x2]  }
0x5: {  	v0 =	vlaneseq.u32;
	s2 =	sshll.u32 s3, $0x7;
	s8 =	ssub.s32 $0x2, s3;
	s3 =	sadd.s32 $0x7800, s4  }
0x6: {  	v0 =	vmul.u32 $0x38, v0;
	s6 =	sor.u32 s2, s31;
	s2 =	simm.s32 $0x0;
	s9 =	sshrl.u32 s8, $0x1  }
0x7: {  	s7 =	smul.u32 $0x7, s6;
	[smem:$0x7FF] =	sst s2;
	s8 =	ssub.s32 s8, s9  }
0x8: {  	v1 =	vimm.f32 $0.0e+00;
	v2 =	vadd.s32 $0x380, v0;
	s6 =	sshll.u32 s6, $0x3;
	s9 =	simm.s32 $0x3500;
	_ =	strace $0x80000047  }
0x9: {  	v3 =	vadd.s32 $0x700, v0;
	v4 =	vadd.s32 $0xA80, v0;
	v5 =	vadd.s32 $0xE00, v0;
	s5 =	sadd.s32 s5, s6;
	s6 =	smax.u32 s8, $0x1;
	s7 =	sadd.s32 s7, s4  }
0xa: {  	v6 =	vadd.s32 $0x1180, v0;
	v7 =	vadd.s32 $0x1500, v0;
	v8 =	vadd.s32 $0x1880, v0;
	s8 =	simm.s32 $0x80;
	s4 =	sadd.s32 $0x800, s7;
	s7 =	simm.s32 $0x2  }
.LBB2_1:
0xb: {  	[tilespmem:s2], [sflag:$0x2] =	stream.linear.gather [hbm4b:s4+s2], $0x1C00, $0x38;
	[tilespmem:$0x5500] =	vst v63  }
0xc: {  	s13 =	simm.s32 $0x100;
	s14 =	simm.s32 $0x0  }
.LBB2_2:
0xd: {  	p0 =	sne.s32 s13, $0x7F00;
	[tilespmem:s14+$0x3530] =	vst v1;
	s15 =	smov.u32 s13;
	s13 =	sadd.s32 $0x100, s13  }
.Ltmp0:
0xe: {  	[tilespmem:s14+$0x3520] =	vst v1;
	(pc) =	sbr.rel @p0 .LBB2_2-.Ltmp0, $3  }
0xf: {  	[tilespmem:s14+$0x3500] =	vst v1  }
0x10: {  	[tilespmem:s14+$0x3510] =	vst v1;
	_ =	sdelay $0x1  }
0x11: {  	s14 =	sshra.s32 s15, $0x2  }
0x12: {  	s13 =	simm.s32 $0x0  }
0x13: {  	[tilespmem:s14+$0x3530] =	vst v1;
	v9 =	vmov s13  }
0x14: {  	[tilespmem:s14+$0x3520] =	vst v1;
	v9 =	vand.u32 $0x3F, v9  }
0x15: {  	[tilespmem:s14+$0x3500] =	vst v1;
	v10 =	vadd.s32 v0, v9  }
0x16: {  	[tilespmem:s14+$0x3510] =	vst v1  }
0x17: {  	_ =	swait.ge [sflag:s7], $0x1C00  }
0x18: {  	[sflag:s7] =	ssyncset.done $0x0  }
0x19: {  	[sflag:s7] =	ssyncadd.s32 $0xFFFFE400  }
0x1a: {  	v10 =	vld.idx.msk [tilespmem:v10+s13+$0x0], $0xffff;
	_ =	sdelay $0x1  }
0x1b: {  	v11 =	vadd.s32 v2, v9;
	_ =	sdelay $0x2  }
0x1c: {  	s14 =	simm.s32 $0x1C40;
	v10 =	vshll.u32 v10, $0x1  }
0x1d: {  	[tilespmem:s14+$0xFFFFFFC0] =	vst v10  }
0x1e: {  	v10 =	vld.idx.msk [tilespmem:v11+s13+$0x0], $0xffff;
	_ =	sdelay $0x1  }
0x1f: {  	v11 =	vadd.s32 v3, v9;
	_ =	sdelay $0x2  }
0x20: {  	v10 =	vshll.u32 v10, $0x1  }
0x21: {  	[tilespmem:s14+$0xFFFFFFD0] =	vst v10  }
0x22: {  	v10 =	vld.idx.msk [tilespmem:v11+s13+$0x0], $0xffff;
	_ =	sdelay $0x1  }
0x23: {  	v11 =	vadd.s32 v4, v9;
	_ =	sdelay $0x2  }
0x24: {  	v10 =	vshll.u32 v10, $0x1  }
0x25: {  	[tilespmem:s14+$0xFFFFFFE0] =	vst v10  }
0x26: {  	v10 =	vld.idx.msk [tilespmem:v11+s13+$0x0], $0xffff;
	_ =	sdelay $0x1  }
0x27: {  	v11 =	vadd.s32 v5, v9;
	_ =	sdelay $0x2  }
0x28: {  	v10 =	vshll.u32 v10, $0x1  }
0x29: {  	[tilespmem:s14+$0xFFFFFFF0] =	vst v10  }
0x2a: {  	v10 =	vld.idx.msk [tilespmem:v11+s13+$0x0], $0xffff;
	_ =	sdelay $0x1  }
0x2b: {  	v11 =	vadd.s32 v6, v9;
	_ =	sdelay $0x2  }
0x2c: {  	v10 =	vshll.u32 v10, $0x1  }
0x2d: {  	[tilespmem:s14+$0x0] =	vst v10  }
0x2e: {  	v10 =	vld.idx.msk [tilespmem:v11+s13+$0x0], $0xffff;
	_ =	sdelay $0x1  }
0x2f: {  	v11 =	vadd.s32 v7, v9;
	_ =	sdelay $0x2  }
0x30: {  	v10 =	vshll.u32 v10, $0x1  }
0x31: {  	[tilespmem:s14+$0x10] =	vst v10  }
0x32: {  	v10 =	vld.idx.msk [tilespmem:v11+s13+$0x0], $0xffff;
	_ =	sdelay $0x1  }
0x33: {  	v9 =	vadd.s32 v8, v9;
	_ =	sdelay $0x2  }
0x34: {  	v10 =	vshll.u32 v10, $0x1  }
0x35: {  	s15 =	simm.s32 $0x1;
	[tilespmem:s14+$0x20] =	vst v10  }
0x36: {  	v10 =	vmov s15;
	s15 =	simm.s32 $0x2;
	v9 =	vld.idx.msk [tilespmem:v9+s13+$0x0], $0xffff  }
.LBB2_4:
0x37: {  	p0 =	sne.s32 s15, $0x31;
	v10 =	vand.u32 $0x3F, v10  }
0x38: {  	v11 =	vadd.s32 v0, v10;
	_ =	sdelay $0x2  }
0x39: {  	v9 =	vshll.u32 v9, $0x1  }
0x3a: {  	[tilespmem:s14+$0x30] =	vst v9  }
0x3b: {  	v9 =	vld.idx.msk [tilespmem:v11+s13+$0x0], $0xffff;
	_ =	sdelay $0x2  }
0x3c: {  	v11 =	vadd.s32 v2, v10;
	_ =	sdelay $0x2  }
0x3d: {  	s14 =	sadd.s32 $0x80, s14;
	v9 =	vshll.u32 v9, $0x1  }
0x3e: {  	[tilespmem:s14+$0xFFFFFFC0] =	vst v9  }
0x3f: {  	v9 =	vld.idx.msk [tilespmem:v11+s13+$0x0], $0xffff;
	_ =	sdelay $0x2  }
0x40: {  	v11 =	vadd.s32 v3, v10;
	_ =	sdelay $0x2  }
0x41: {  	v9 =	vshll.u32 v9, $0x1  }
0x42: {  	[tilespmem:s14+$0xFFFFFFD0] =	vst v9  }
0x43: {  	v9 =	vld.idx.msk [tilespmem:v11+s13+$0x0], $0xffff;
	_ =	sdelay $0x2  }
0x44: {  	v11 =	vadd.s32 v4, v10;
	_ =	sdelay $0x2  }
0x45: {  	v9 =	vshll.u32 v9, $0x1  }
0x46: {  	[tilespmem:s14+$0xFFFFFFE0] =	vst v9  }
0x47: {  	v9 =	vld.idx.msk [tilespmem:v11+s13+$0x0], $0xffff;
	_ =	sdelay $0x2  }
0x48: {  	v11 =	vadd.s32 v5, v10;
	_ =	sdelay $0x2  }
0x49: {  	v9 =	vshll.u32 v9, $0x1  }
0x4a: {  	[tilespmem:s14+$0xFFFFFFF0] =	vst v9  }
0x4b: {  	v9 =	vld.idx.msk [tilespmem:v11+s13+$0x0], $0xffff;
	_ =	sdelay $0x2  }
0x4c: {  	v11 =	vadd.s32 v6, v10;
	_ =	sdelay $0x2  }
0x4d: {  	v9 =	vshll.u32 v9, $0x1  }
0x4e: {  	[tilespmem:s14+$0x0] =	vst v9  }
0x4f: {  	v9 =	vld.idx.msk [tilespmem:v11+s13+$0x0], $0xffff;
	_ =	sdelay $0x2  }
0x50: {  	v11 =	vadd.s32 v7, v10;
	_ =	sdelay $0x2  }
0x51: {  	v9 =	vshll.u32 v9, $0x1  }
0x52: {  	[tilespmem:s14+$0x10] =	vst v9  }
0x53: {  	v9 =	vld.idx.msk [tilespmem:v11+s13+$0x0], $0xffff;
	_ =	sdelay $0x2  }
0x54: {  	v10 =	vadd.s32 v8, v10;
	_ =	sdelay $0x1  }
.Ltmp1:
0x55: {  	(pc) =	sbr.rel @p0 .LBB2_4-.Ltmp1, $4  }
0x56: {  	v9 =	vshll.u32 v9, $0x1  }
0x57: {  	[tilespmem:s14+$0x20] =	vst v9  }
0x58: {  	v9 =	vld.idx.msk [tilespmem:v10+s13+$0x0], $0xffff  }
0x59: {  	v10 =	vmov s15;
	s15 =	sadd.s32 $0x1, s15  }
0x5a: {  	v10 =	vand.u32 $0x3F, v10  }
0x5b: {  	v11 =	vadd.s32 v0, v10;
	_ =	sdelay $0x2  }
0x5c: {  	v9 =	vshll.u32 v9, $0x1  }
0x5d: {  	[tilespmem:s14+$0x30] =	vst v9  }
0x5e: {  	v9 =	vld.idx.msk [tilespmem:v11+s13+$0x0], $0xffff;
	_ =	sdelay $0x1  }
0x5f: {  	v11 =	vadd.s32 v2, v10;
	_ =	sdelay $0x2  }
0x60: {  	s31 =	sadd.s32 $0x80, s14;
	v9 =	vshll.u32 v9, $0x1  }
0x61: {  	[tilespmem:s31+$0xFFFFFFC0] =	vst v9  }
0x62: {  	v9 =	vld.idx.msk [tilespmem:v11+s13+$0x0], $0xffff;
	_ =	sdelay $0x1  }
0x63: {  	v11 =	vadd.s32 v3, v10;
	_ =	sdelay $0x2  }
0x64: {  	v9 =	vshll.u32 v9, $0x1  }
0x65: {  	[tilespmem:s31+$0xFFFFFFD0] =	vst v9  }
0x66: {  	v9 =	vld.idx.msk [tilespmem:v11+s13+$0x0], $0xffff;
	_ =	sdelay $0x1  }
0x67: {  	v11 =	vadd.s32 v4, v10;
	_ =	sdelay $0x2  }
0x68: {  	v9 =	vshll.u32 v9, $0x1  }
0x69: {  	[tilespmem:s31+$0xFFFFFFE0] =	vst v9  }
0x6a: {  	v9 =	vld.idx.msk [tilespmem:v11+s13+$0x0], $0xffff;
	_ =	sdelay $0x1  }
0x6b: {  	v11 =	vadd.s32 v5, v10;
	_ =	sdelay $0x2  }
0x6c: {  	v9 =	vshll.u32 v9, $0x1  }
0x6d: {  	[tilespmem:s31+$0xFFFFFFF0] =	vst v9  }
0x6e: {  	v9 =	vld.idx.msk [tilespmem:v11+s13+$0x0], $0xffff;
	_ =	sdelay $0x1  }
0x6f: {  	v11 =	vadd.s32 v6, v10;
	_ =	sdelay $0x2  }
0x70: {  	v9 =	vshll.u32 v9, $0x1  }
0x71: {  	[tilespmem:s31+$0x0] =	vst v9  }
0x72: {  	v9 =	vld.idx.msk [tilespmem:v11+s13+$0x0], $0xffff;
	_ =	sdelay $0x1  }
0x73: {  	v11 =	vadd.s32 v7, v10;
	_ =	sdelay $0x2  }
0x74: {  	v9 =	vshll.u32 v9, $0x1  }
0x75: {  	[tilespmem:s31+$0x10] =	vst v9  }
0x76: {  	v9 =	vld.idx.msk [tilespmem:v11+s13+$0x0], $0xffff;
	_ =	sdelay $0x1  }
0x77: {  	v10 =	vadd.s32 v8, v10;
	_ =	sdelay $0x2  }
0x78: {  	v9 =	vshll.u32 v9, $0x1  }
0x79: {  	[tilespmem:s31+$0x20] =	vst v9  }
0x7a: {  	v9 =	vld.idx.msk [tilespmem:v10+s13+$0x0], $0xffff;
	_ =	sdelay $0x4  }
0x7b: {  	v9 =	vshll.u32 v9, $0x1  }
0x7c: {  	[tilespmem:s31+$0x30] =	vst v9  }
.LBB2_6:
0x7d: {  	p0 =	sne.s32 s13, $0x6200  }
.Ltmp2:
0x7e: {  	_ = 	snop;
	(pc) =	sbr.rel @p0 .LBB2_6-.Ltmp2, $4  }
0x7f: {  	_ = 	snop  }
0x80: {  	s14 =	sshra.s32 s13, $0x2  }
0x81: {  	s13 =	sadd.s32 $0x200, s13;
	s14 =	sadd.s32 $0x1C00, s14  }
0x82: {  	[tilespmem:s9], [sflag:$0x1] =	stream.indirect.gather.add.f32 [hbm:s3], $0x40, s14, s8, $0xb8;
	[tilespmem:$0x5500] =	vst v63  }
0x83: {  	_ =	swait.ge [sflag:s10], $0x2000  }
0x84: {  	s13 =	simm.s32 $0x31;
	[sflag:s10] =	ssyncset.done $0x0  }
.LBB2_8:
0x85: {  	p0 =	sne.s32 s13, $0x1;
	s13 =	sadd.s32 $0xFFFFFFFF, s13;
	[sflag:s10] =	ssyncadd.s32 $0xFFFFE000  }
.Ltmp3:
0x86: {  	(pc) =	sbr.rel @p0 .LBB2_8-.Ltmp3, $3  }
0x87: {  	_ =	sdelay $0x1  }
0x88: {  	_ =	swait.ge [sflag:s10], $0x2000  }
0x89: {  	[sflag:s10] =	ssyncset.done $0x0  }
0x8a: {  	s12 =	sadd.s32 $0x1, s12  }
0x8b: {  	p0 =	sne.s32 s12, s6  }
.Ltmp4:
0x8c: {  	[sflag:s10] =	ssyncadd.s32 $0xFFFFE000;
	(pc) =	sbr.rel @p0 .LBB2_1-.Ltmp4, $4  }
0x8d: {  	[hbm4b:s5+s2] =	stream.linear.scatter [tilespmem:s9], [sflag:$0x3], $0x2000, $0x38;
	[tilespmem:$0x5500] =	vst v63  }
0x8e: {  	_ =	swait.ge [sflag:s11], $0x2000  }
0x8f: {  	[sflag:s11] =	ssyncset.done $0x0  }
0x90: {  	[sflag:s11] =	ssyncadd.s32 $0xFFFFE000  }
0x91: {  	_ =	sfence.sel $0x180000  }
0x92: {  	[bflag:$0x0] =	sbarrier.arrive $0xFFFF  }
0x93: {  	p0 =	sne.s32 s0, $0x0;
	_ =	strace $0x90000047  }
0x94: {  	s0 =	sadd.s32 @!p0 $0x100000, s1;
	[bflag:$0x2] =	sbarrier.arrive $0xFFFF  }
0x95: {  	[sflag:s0] =	ssyncadd.tile.s32 @!p0 $0x1;
	_ =	shalt  }
.Lfunc_end2:
_tile_overlayer_lowered:
.L_overlay_start_2:
0x96: {  	(tag) =	ssettag $0x2  }
0x97: {  	s0 =	rddreg [dreg:$0x0];
	s2 =	stileid.u32  }
0x98: {  	s1 =	rddreg [dreg:$0x1];
	p0 =	sne.s32 s2, $0x0  }
0x99: {  	s3 =	rddreg [dreg:$0x2];
	[bflag:$0x3] =	sbarrier.arrive $0xFFFF;
	s2 =	simm.s32 @!p0 $0x1C03  }
0x9a: {  	[timem:s3], [sflag:s2] =	dma.local @!p0 [hbm:s0], s1  }
0x9b: {  	s0 =	simm.s32 @!p0 $0x3  }
0x9c: {  	_ =	swait.ge @!p0 [sflag:s0], s1  }
0x9d: {  	s1 =	ssub.s32 @!p0 $0x0, s1;
	[sflag:s0] =	ssyncset.done @!p0 $0x0  }
0x9e: {  	[sflag:s0] =	ssyncadd.s32 @!p0 s1  }
0x9f: {  	[bflag:$0x3] =	sbarrier.arrive $0xFFFF  }
0xa0: {  	_ =	shalt  }

</sc_bundles>
